<compile_context>
chip_gen: v7x
topology: tpu7x:2x2x1
jax: 0.10.2.dev20260603
libtpu: 0.0.44.dev20260713+nightly
codegen_flags: <defaults>
</compile_context>

<pallas_src>
import jax
import jax.numpy as jnp
from jax import lax
from jax.experimental import pallas as pl
from jax.experimental.pallas import tpu as pltpu
from jax.experimental.pallas import tpu_sc as plsc

NC = 2
NS = 16
NW = NC * NS
D = 1024
CHUNK = 32
NBUF = 2


def _gather_body(x_hbm, pe_hbm, out_hbm, idx_v, *rest):
    nch = idx_v.shape[0]
    bufs = rest[:NBUF]
    gsems = rest[NBUF:2 * NBUF]
    ssems = rest[2 * NBUF:3 * NBUF]

    cid = lax.axis_index("c")
    sid = lax.axis_index("s")
    wid = sid * NC + cid

    pltpu.sync_copy(x_hbm.at[wid], idx_v)

    pltpu.async_copy(pe_hbm.at[idx_v.at[0]], bufs[0], gsems[0])

    def outer(i, carry):
        for b in range(NBUF):
            g = i * NBUF + b
            nb = (b + 1) % NBUF
            pltpu.make_async_copy(pe_hbm.at[pl.ds(0, CHUNK)], bufs[b],
                                  gsems[b]).wait()
            pltpu.async_copy(bufs[b], out_hbm.at[wid, g], ssems[b])
            if b < NBUF - 1:
                @pl.when(i >= 1)
                def _():
                    pltpu.make_async_copy(bufs[nb], out_hbm.at[wid, 0],
                                          ssems[nb]).wait()

                pltpu.async_copy(pe_hbm.at[idx_v.at[g + 1]], bufs[nb],
                                 gsems[nb])
            else:
                @pl.when(g + 1 < nch)
                def _():
                    pltpu.make_async_copy(bufs[nb], out_hbm.at[wid, 0],
                                          ssems[nb]).wait()
                    pltpu.async_copy(pe_hbm.at[idx_v.at[g + 1]], bufs[nb],
                                     gsems[nb])

        return carry

    lax.fori_loop(0, nch // NBUF, outer, 0)

    for b in range(NBUF):
        pltpu.make_async_copy(bufs[b], out_hbm.at[wid, 0], ssems[b]).wait()


@jax.jit
def _sc_gather(x_resh, pe):
    nch = x_resh.shape[1]
    mesh = plsc.VectorSubcoreMesh(core_axis_name="c", subcore_axis_name="s")
    scratch = (
        [pltpu.VMEM((nch, CHUNK), jnp.int32)]
        + [pltpu.VMEM((CHUNK, D), jnp.float32) for _ in range(NBUF)]
        + [pltpu.SemaphoreType.DMA for _ in range(2 * NBUF)]
    )
    run = pl.kernel(
        _gather_body,
        out_type=jax.ShapeDtypeStruct((NW, nch, CHUNK, D), jnp.float32),
        mesh=mesh,
        scratch_types=scratch,
    )
    return run(x_resh, pe)


def kernel(x, pe):
    B, S = x.shape
    total = B * S
    per_w = total // NW
    nch = per_w // CHUNK
    x_resh = x.astype(jnp.int32).reshape(NW, nch, CHUNK)
    out = _sc_gather(x_resh, pe)
    return out.reshape(B, S, D)

# --- scband reference (transcript-rebuilt; emitter-appended) ---
"""Pipeline reference for scband-sentence-embedding-6021544149244 (READ-ONLY COPY).

The authoritative reference and input builder live on the scoring server;
editing this copy changes nothing except your own understanding.
"""

import math
import jax, jax.numpy as jnp
import numpy as np

D_MODEL = 1024
MAX_SEQ_LEN = 8192


def _build_pe(d_model, max_seq_len):
    position = jnp.arange(0.0, max_seq_len + 1, dtype=jnp.float32)[:, None]
    div_term = 1.0 / (20.0 + jnp.exp(jnp.arange(0.0, d_model, 2, dtype=jnp.float32) * (math.log(10000.0) / d_model)))
    pe = jnp.zeros((max_seq_len + 1, d_model), dtype=jnp.float32)
    pe = pe.at[:, 0::2].set((1.0 / 100.0) * jnp.sin(position * div_term))
    pe = pe.at[:, 1::2].set((1.0 / 100.0) * jnp.cos(position * div_term))
    return pe


def setup_inputs(seed: int = 0) -> dict:
    key = jax.random.key(seed)
    x = jax.random.randint(key, (4, 8192), 0, MAX_SEQ_LEN + 1, dtype=jnp.int64 if jax.config.jax_enable_x64 else jnp.int32)
    pe = _build_pe(D_MODEL, MAX_SEQ_LEN)
    return {"x": x, "pe": pe}


def reference(x, pe):
    # position embedding lookup: pe[x, :]
    return jnp.take(pe, x, axis=0)

if __name__ == "__main__":
    import jax
    _d = setup_inputs()
    print(jax.jit(kernel)(*tuple(_d.values())))

</pallas_src>

<mosaic_0001>
#map = affine_map<(d0, d1) -> (0, 0, 0)>
#map1 = affine_map<(d0, d1) -> (0, 0)>
#map2 = affine_map<(d0, d1) -> (0, 0, 0, 0)>
module attributes {stable_mosaic.version = 14 : i64} {
  func.func @_gather_body(%arg0: i32, %arg1: i32, %arg2: memref<32x32x32xi32, #tpu.memory_space<hbm>>, %arg3: memref<8193x1024xf32, #tpu.memory_space<hbm>>, %arg4: memref<32x32x32x1024xf32, #tpu.memory_space<hbm>>, %arg5: memref<32x32xi32, #tpu.memory_space<vmem>>, %arg6: memref<32x1024xf32, #tpu.memory_space<vmem>>, %arg7: memref<32x1024xf32, #tpu.memory_space<vmem>>, %arg8: memref<!tpu.dma_semaphore, #tpu.memory_space<semaphore_mem>>, %arg9: memref<!tpu.dma_semaphore, #tpu.memory_space<semaphore_mem>>, %arg10: memref<!tpu.dma_semaphore, #tpu.memory_space<semaphore_mem>>, %arg11: memref<!tpu.dma_semaphore, #tpu.memory_space<semaphore_mem>>) attributes {dimension_semantics = [#tpu.dimension_semantics<core_parallel>, #tpu.dimension_semantics<subcore_parallel>], iteration_bounds = array<i64: 2, 16>, scalar_prefetch = 0 : i64, scratch_operands = 7 : i64, tpu.core_type = #tpu.core_type<sc_vector_subcore>, window_params = [{transform_indices = #map}, {transform_indices = #map1}, {transform_indices = #map2}]} {
    %mul3A = arith.constant 2 : i32
    %mul3A_0 = arith.muli %arg1, %mul3A : i32
    %add3A = arith.addi %mul3A_0, %arg0 : i32
    "tpu.region"() ({
      %run_scoped3A = tpu.sem_alloc : memref<!tpu.dma_semaphore, #tpu.memory_space<semaphore_mem>>
      %dma_start3A_29 = arith.constant 0 : i32
      %dma_start3A_30 = arith.constant 0 : i32
      %dma_start3A_31 = tpu.memref_slice %arg2[%add3A, %dma_start3A_29, %dma_start3A_30] : memref<32x32x32xi32, #tpu.memory_space<hbm>> -> memref<1x32x32xi32, #tpu.memory_space<hbm>>
      %dma_start3A_32 = tpu.memref_squeeze %dma_start3A_31 : memref<1x32x32xi32, #tpu.memory_space<hbm>> -> memref<32x32xi32, #tpu.memory_space<hbm>>
      %dma_start3A_33 = arith.constant 0 : i32
      %dma_start3A_34 = arith.constant 0 : i32
      %dma_start3A_35 = tpu.memref_slice %arg2[%add3A, %dma_start3A_33, %dma_start3A_34] : memref<32x32x32xi32, #tpu.memory_space<hbm>> -> memref<1x32x32xi32, #tpu.memory_space<hbm>>
      %dma_start3A_36 = tpu.memref_squeeze %dma_start3A_35 : memref<1x32x32xi32, #tpu.memory_space<hbm>> -> memref<32x32xi32, #tpu.memory_space<hbm>>
      tpu.enqueue_dma source(%dma_start3A_36 : memref<32x32xi32, #tpu.memory_space<hbm>>) target(%arg5 : memref<32x32xi32, #tpu.memory_space<vmem>>) target_semaphore(%run_scoped3A : memref<!tpu.dma_semaphore, #tpu.memory_space<semaphore_mem>>)
      %dma_wait3A_37 = arith.constant 0 : i32
      %dma_wait3A_38 = arith.constant 0 : i32
      %dma_wait3A_39 = tpu.memref_slice %arg2[%add3A, %dma_wait3A_37, %dma_wait3A_38] : memref<32x32x32xi32, #tpu.memory_space<hbm>> -> memref<1x32x32xi32, #tpu.memory_space<hbm>>
      %dma_wait3A_40 = tpu.memref_squeeze %dma_wait3A_39 : memref<1x32x32xi32, #tpu.memory_space<hbm>> -> memref<32x32xi32, #tpu.memory_space<hbm>>
      %dma_wait3A_41 = arith.constant 0 : i32
      %dma_wait3A_42 = arith.constant 0 : i32
      %dma_wait3A_43 = tpu.memref_slice %arg2[%add3A, %dma_wait3A_41, %dma_wait3A_42] : memref<32x32x32xi32, #tpu.memory_space<hbm>> -> memref<1x32x32xi32, #tpu.memory_space<hbm>>
      %dma_wait3A_44 = tpu.memref_squeeze %dma_wait3A_43 : memref<1x32x32xi32, #tpu.memory_space<hbm>> -> memref<32x32xi32, #tpu.memory_space<hbm>>
      tpu.wait_dma2 semaphore(%run_scoped3A : memref<!tpu.dma_semaphore, #tpu.memory_space<semaphore_mem>>) src(%dma_wait3A_44 : memref<32x32xi32, #tpu.memory_space<hbm>>) dst(%arg5 : memref<32x32xi32, #tpu.memory_space<vmem>>)
      tpu.yield
    }) : () -> ()
    %dma_start3A = arith.constant 0 : i32
    %dma_start3A_1 = arith.constant 0 : i32
    %dma_start3A_2 = tpu.memref_slice %arg5[%dma_start3A, %dma_start3A_1] : memref<32x32xi32, #tpu.memory_space<vmem>> -> memref<1x32xi32, #tpu.memory_space<vmem>>
    %dma_start3A_3 = tpu.memref_squeeze %dma_start3A_2 : memref<1x32xi32, #tpu.memory_space<vmem>> -> memref<32xi32, #tpu.memory_space<vmem>>
    %dma_start3A_4 = arith.constant 0 : i32
    %dma_start3A_5 = arith.constant 0 : i32
    %dma_start3A_6 = tpu.memref_slice %arg3[%dma_start3A_4, %dma_start3A_5] : memref<8193x1024xf32, #tpu.memory_space<hbm>> -> memref<8193x1024xf32, #tpu.memory_space<hbm>>
    tpu.enqueue_indirect_dma source(%dma_start3A_6 : memref<8193x1024xf32, #tpu.memory_space<hbm>>) target(%arg6 : memref<32x1024xf32, #tpu.memory_space<vmem>>) offsets(%dma_start3A_3 : memref<32xi32, #tpu.memory_space<vmem>>) semaphore(%arg8 : memref<!tpu.dma_semaphore, #tpu.memory_space<semaphore_mem>>)
    %scan3A = arith.constant 0 : i32
    %scan3A_7 = arith.constant 0 : i32
    %scan3A_8 = arith.constant 16 : i32
    %scan3A_9 = arith.addi %scan3A_7, %scan3A_8 : i32
    %scan3A_10 = arith.constant 1 : i32
    scf.for %scan3A_29 = %scan3A_7 to %scan3A_9 step %scan3A_10  : i32 {
      %mul3A_30 = arith.constant 2 : i32
      %mul3A_31 = arith.muli %scan3A_29, %mul3A_30 : i32
      %add3A_32 = arith.constant 0 : i32
      %add3A_33 = arith.addi %mul3A_31, %add3A_32 : i32
      %dma_wait3A_34 = arith.constant 0 : i32
      %dma_wait3A_35 = arith.constant 0 : i32
      %dma_wait3A_36 = tpu.memref_slice %arg3[%dma_wait3A_34, %dma_wait3A_35] : memref<8193x1024xf32, #tpu.memory_space<hbm>> -> memref<32x1024xf32, #tpu.memory_space<hbm>>
      %dma_wait3A_37 = arith.constant 0 : i32
      %dma_wait3A_38 = arith.constant 0 : i32
      %dma_wait3A_39 = tpu.memref_slice %arg3[%dma_wait3A_37, %dma_wait3A_38] : memref<8193x1024xf32, #tpu.memory_space<hbm>> -> memref<32x1024xf32, #tpu.memory_space<hbm>>
      tpu.wait_dma2 semaphore(%arg8 : memref<!tpu.dma_semaphore, #tpu.memory_space<semaphore_mem>>) src(%dma_wait3A_39 : memref<32x1024xf32, #tpu.memory_space<hbm>>) dst(%arg6 : memref<32x1024xf32, #tpu.memory_space<vmem>>)
      %dma_start3A_40 = arith.constant 0 : i32
      %dma_start3A_41 = arith.constant 0 : i32
      %dma_start3A_42 = tpu.memref_slice %arg4[%add3A, %add3A_33, %dma_start3A_40, %dma_start3A_41] : memref<32x32x32x1024xf32, #tpu.memory_space<hbm>> -> memref<1x1x32x1024xf32, #tpu.memory_space<hbm>>
      %dma_start3A_43 = tpu.memref_squeeze %dma_start3A_42 : memref<1x1x32x1024xf32, #tpu.memory_space<hbm>> -> memref<32x1024xf32, #tpu.memory_space<hbm>>
      %dma_start3A_44 = arith.constant 0 : i32
      %dma_start3A_45 = arith.constant 0 : i32
      %dma_start3A_46 = tpu.memref_slice %arg4[%add3A, %add3A_33, %dma_start3A_44, %dma_start3A_45] : memref<32x32x32x1024xf32, #tpu.memory_space<hbm>> -> memref<1x1x32x1024xf32, #tpu.memory_space<hbm>>
      %dma_start3A_47 = tpu.memref_squeeze %dma_start3A_46 : memref<1x1x32x1024xf32, #tpu.memory_space<hbm>> -> memref<32x1024xf32, #tpu.memory_space<hbm>>
      tpu.enqueue_dma source(%arg6 : memref<32x1024xf32, #tpu.memory_space<vmem>>) target(%dma_start3A_47 : memref<32x1024xf32, #tpu.memory_space<hbm>>) target_semaphore(%arg10 : memref<!tpu.dma_semaphore, #tpu.memory_space<semaphore_mem>>)
      %ge3A = arith.constant 1 : i32
      %ge3A_48 = arith.cmpi sge, %scan3A_29, %ge3A : i32
      %convert_element_type3A = arith.extui %ge3A_48 : i1 to i32
      %cond3A = arith.constant 0 : i32
      %cond3A_49 = arith.cmpi ne, %convert_element_type3A, %cond3A : i32
      scf.if %cond3A_49 {
        %dma_wait3A_82 = arith.constant 0 : i32
        %dma_wait3A_83 = arith.constant 0 : i32
        %dma_wait3A_84 = arith.constant 0 : i32
        %dma_wait3A_85 = tpu.memref_slice %arg4[%add3A, %dma_wait3A_82, %dma_wait3A_83, %dma_wait3A_84] : memref<32x32x32x1024xf32, #tpu.memory_space<hbm>> -> memref<1x1x32x1024xf32, #tpu.memory_space<hbm>>
        %dma_wait3A_86 = tpu.memref_squeeze %dma_wait3A_85 : memref<1x1x32x1024xf32, #tpu.memory_space<hbm>> -> memref<32x1024xf32, #tpu.memory_space<hbm>>
        %dma_wait3A_87 = arith.constant 0 : i32
        %dma_wait3A_88 = arith.constant 0 : i32
        %dma_wait3A_89 = tpu.memref_slice %arg4[%add3A, %dma_wait3A_82, %dma_wait3A_87, %dma_wait3A_88] : memref<32x32x32x1024xf32, #tpu.memory_space<hbm>> -> memref<1x1x32x1024xf32, #tpu.memory_space<hbm>>
        %dma_wait3A_90 = tpu.memref_squeeze %dma_wait3A_89 : memref<1x1x32x1024xf32, #tpu.memory_space<hbm>> -> memref<32x1024xf32, #tpu.memory_space<hbm>>
        tpu.wait_dma2 semaphore(%arg11 : memref<!tpu.dma_semaphore, #tpu.memory_space<semaphore_mem>>) src(%arg7 : memref<32x1024xf32, #tpu.memory_space<vmem>>) dst(%dma_wait3A_90 : memref<32x1024xf32, #tpu.memory_space<hbm>>)
      } else {
      }
      %add3A_50 = arith.constant 1 : i32
      %add3A_51 = arith.addi %add3A_33, %add3A_50 : i32
      %dma_start3A_52 = arith.constant 0 : i32
      %dma_start3A_53 = tpu.memref_slice %arg5[%add3A_51, %dma_start3A_52] : memref<32x32xi32, #tpu.memory_space<vmem>> -> memref<1x32xi32, #tpu.memory_space<vmem>>
      %dma_start3A_54 = tpu.memref_squeeze %dma_start3A_53 : memref<1x32xi32, #tpu.memory_space<vmem>> -> memref<32xi32, #tpu.memory_space<vmem>>
      %dma_start3A_55 = arith.constant 0 : i32
      %dma_start3A_56 = arith.constant 0 : i32
      %dma_start3A_57 = tpu.memref_slice %arg3[%dma_start3A_55, %dma_start3A_56] : memref<8193x1024xf32, #tpu.memory_space<hbm>> -> memref<8193x1024xf32, #tpu.memory_space<hbm>>
      tpu.enqueue_indirect_dma source(%dma_start3A_57 : memref<8193x1024xf32, #tpu.memory_space<hbm>>) target(%arg7 : memref<32x1024xf32, #tpu.memory_space<vmem>>) offsets(%dma_start3A_54 : memref<32xi32, #tpu.memory_space<vmem>>) semaphore(%arg9 : memref<!tpu.dma_semaphore, #tpu.memory_space<semaphore_mem>>)
      %mul3A_58 = arith.constant 2 : i32
      %mul3A_59 = arith.muli %scan3A_29, %mul3A_58 : i32
      %add3A_60 = arith.constant 1 : i32
      %add3A_61 = arith.addi %mul3A_59, %add3A_60 : i32
      %dma_wait3A_62 = arith.constant 0 : i32
      %dma_wait3A_63 = arith.constant 0 : i32
      %dma_wait3A_64 = tpu.memref_slice %arg3[%dma_wait3A_62, %dma_wait3A_63] : memref<8193x1024xf32, #tpu.memory_space<hbm>> -> memref<32x1024xf32, #tpu.memory_space<hbm>>
      %dma_wait3A_65 = arith.constant 0 : i32
      %dma_wait3A_66 = arith.constant 0 : i32
      %dma_wait3A_67 = tpu.memref_slice %arg3[%dma_wait3A_65, %dma_wait3A_66] : memref<8193x1024xf32, #tpu.memory_space<hbm>> -> memref<32x1024xf32, #tpu.memory_space<hbm>>
      tpu.wait_dma2 semaphore(%arg9 : memref<!tpu.dma_semaphore, #tpu.memory_space<semaphore_mem>>) src(%dma_wait3A_67 : memref<32x1024xf32, #tpu.memory_space<hbm>>) dst(%arg7 : memref<32x1024xf32, #tpu.memory_space<vmem>>)
      %dma_start3A_68 = arith.constant 0 : i32
      %dma_start3A_69 = arith.constant 0 : i32
      %dma_start3A_70 = tpu.memref_slice %arg4[%add3A, %add3A_61, %dma_start3A_68, %dma_start3A_69] : memref<32x32x32x1024xf32, #tpu.memory_space<hbm>> -> memref<1x1x32x1024xf32, #tpu.memory_space<hbm>>
      %dma_start3A_71 = tpu.memref_squeeze %dma_start3A_70 : memref<1x1x32x1024xf32, #tpu.memory_space<hbm>> -> memref<32x1024xf32, #tpu.memory_space<hbm>>
      %dma_start3A_72 = arith.constant 0 : i32
      %dma_start3A_73 = arith.constant 0 : i32
      %dma_start3A_74 = tpu.memref_slice %arg4[%add3A, %add3A_61, %dma_start3A_72, %dma_start3A_73] : memref<32x32x32x1024xf32, #tpu.memory_space<hbm>> -> memref<1x1x32x1024xf32, #tpu.memory_space<hbm>>
      %dma_start3A_75 = tpu.memref_squeeze %dma_start3A_74 : memref<1x1x32x1024xf32, #tpu.memory_space<hbm>> -> memref<32x1024xf32, #tpu.memory_space<hbm>>
      tpu.enqueue_dma source(%arg7 : memref<32x1024xf32, #tpu.memory_space<vmem>>) target(%dma_start3A_75 : memref<32x1024xf32, #tpu.memory_space<hbm>>) target_semaphore(%arg11 : memref<!tpu.dma_semaphore, #tpu.memory_space<semaphore_mem>>)
      %add3A_76 = arith.constant 1 : i32
      %add3A_77 = arith.addi %add3A_61, %add3A_76 : i32
      %lt3A = arith.constant 32 : i32
      %lt3A_78 = arith.cmpi slt, %add3A_77, %lt3A : i32
      %convert_element_type3A_79 = arith.extui %lt3A_78 : i1 to i32
      %cond3A_80 = arith.constant 0 : i32
      %cond3A_81 = arith.cmpi ne, %convert_element_type3A_79, %cond3A_80 : i32
      scf.if %cond3A_81 {
        %dma_wait3A_82 = arith.constant 0 : i32
        %dma_wait3A_83 = arith.constant 0 : i32
        %dma_wait3A_84 = arith.constant 0 : i32
        %dma_wait3A_85 = tpu.memref_slice %arg4[%add3A, %dma_wait3A_82, %dma_wait3A_83, %dma_wait3A_84] : memref<32x32x32x1024xf32, #tpu.memory_space<hbm>> -> memref<1x1x32x1024xf32, #tpu.memory_space<hbm>>
        %dma_wait3A_86 = tpu.memref_squeeze %dma_wait3A_85 : memref<1x1x32x1024xf32, #tpu.memory_space<hbm>> -> memref<32x1024xf32, #tpu.memory_space<hbm>>
        %dma_wait3A_87 = arith.constant 0 : i32
        %dma_wait3A_88 = arith.constant 0 : i32
        %dma_wait3A_89 = tpu.memref_slice %arg4[%add3A, %dma_wait3A_82, %dma_wait3A_87, %dma_wait3A_88] : memref<32x32x32x1024xf32, #tpu.memory_space<hbm>> -> memref<1x1x32x1024xf32, #tpu.memory_space<hbm>>
        %dma_wait3A_90 = tpu.memref_squeeze %dma_wait3A_89 : memref<1x1x32x1024xf32, #tpu.memory_space<hbm>> -> memref<32x1024xf32, #tpu.memory_space<hbm>>
        tpu.wait_dma2 semaphore(%arg10 : memref<!tpu.dma_semaphore, #tpu.memory_space<semaphore_mem>>) src(%arg6 : memref<32x1024xf32, #tpu.memory_space<vmem>>) dst(%dma_wait3A_90 : memref<32x1024xf32, #tpu.memory_space<hbm>>)
        %add3A_91 = arith.constant 1 : i32
        %add3A_92 = arith.addi %add3A_61, %add3A_91 : i32
        %dma_start3A_93 = arith.constant 0 : i32
        %dma_start3A_94 = tpu.memref_slice %arg5[%add3A_92, %dma_start3A_93] : memref<32x32xi32, #tpu.memory_space<vmem>> -> memref<1x32xi32, #tpu.memory_space<vmem>>
        %dma_start3A_95 = tpu.memref_squeeze %dma_start3A_94 : memref<1x32xi32, #tpu.memory_space<vmem>> -> memref<32xi32, #tpu.memory_space<vmem>>
        %dma_start3A_96 = arith.constant 0 : i32
        %dma_start3A_97 = arith.constant 0 : i32
        %dma_start3A_98 = tpu.memref_slice %arg3[%dma_start3A_96, %dma_start3A_97] : memref<8193x1024xf32, #tpu.memory_space<hbm>> -> memref<8193x1024xf32, #tpu.memory_space<hbm>>
        tpu.enqueue_indirect_dma source(%dma_start3A_98 : memref<8193x1024xf32, #tpu.memory_space<hbm>>) target(%arg6 : memref<32x1024xf32, #tpu.memory_space<vmem>>) offsets(%dma_start3A_95 : memref<32xi32, #tpu.memory_space<vmem>>) semaphore(%arg8 : memref<!tpu.dma_semaphore, #tpu.memory_space<semaphore_mem>>)
      } else {
      }
    }
    %scan3A_11 = arith.constant 16 : i32
    %dma_wait3A = arith.constant 0 : i32
    %dma_wait3A_12 = arith.constant 0 : i32
    %dma_wait3A_13 = arith.constant 0 : i32
    %dma_wait3A_14 = tpu.memref_slice %arg4[%add3A, %dma_wait3A, %dma_wait3A_12, %dma_wait3A_13] : memref<32x32x32x1024xf32, #tpu.memory_space<hbm>> -> memref<1x1x32x1024xf32, #tpu.memory_space<hbm>>
    %dma_wait3A_15 = tpu.memref_squeeze %dma_wait3A_14 : memref<1x1x32x1024xf32, #tpu.memory_space<hbm>> -> memref<32x1024xf32, #tpu.memory_space<hbm>>
    %dma_wait3A_16 = arith.constant 0 : i32
    %dma_wait3A_17 = arith.constant 0 : i32
    %dma_wait3A_18 = tpu.memref_slice %arg4[%add3A, %dma_wait3A, %dma_wait3A_16, %dma_wait3A_17] : memref<32x32x32x1024xf32, #tpu.memory_space<hbm>> -> memref<1x1x32x1024xf32, #tpu.memory_space<hbm>>
    %dma_wait3A_19 = tpu.memref_squeeze %dma_wait3A_18 : memref<1x1x32x1024xf32, #tpu.memory_space<hbm>> -> memref<32x1024xf32, #tpu.memory_space<hbm>>
    tpu.wait_dma2 semaphore(%arg10 : memref<!tpu.dma_semaphore, #tpu.memory_space<semaphore_mem>>) src(%arg6 : memref<32x1024xf32, #tpu.memory_space<vmem>>) dst(%dma_wait3A_19 : memref<32x1024xf32, #tpu.memory_space<hbm>>)
    %dma_wait3A_20 = arith.constant 0 : i32
    %dma_wait3A_21 = arith.constant 0 : i32
    %dma_wait3A_22 = arith.constant 0 : i32
    %dma_wait3A_23 = tpu.memref_slice %arg4[%add3A, %dma_wait3A_20, %dma_wait3A_21, %dma_wait3A_22] : memref<32x32x32x1024xf32, #tpu.memory_space<hbm>> -> memref<1x1x32x1024xf32, #tpu.memory_space<hbm>>
    %dma_wait3A_24 = tpu.memref_squeeze %dma_wait3A_23 : memref<1x1x32x1024xf32, #tpu.memory_space<hbm>> -> memref<32x1024xf32, #tpu.memory_space<hbm>>
    %dma_wait3A_25 = arith.constant 0 : i32
    %dma_wait3A_26 = arith.constant 0 : i32
    %dma_wait3A_27 = tpu.memref_slice %arg4[%add3A, %dma_wait3A_20, %dma_wait3A_25, %dma_wait3A_26] : memref<32x32x32x1024xf32, #tpu.memory_space<hbm>> -> memref<1x1x32x1024xf32, #tpu.memory_space<hbm>>
    %dma_wait3A_28 = tpu.memref_squeeze %dma_wait3A_27 : memref<1x1x32x1024xf32, #tpu.memory_space<hbm>> -> memref<32x1024xf32, #tpu.memory_space<hbm>>
    tpu.wait_dma2 semaphore(%arg11 : memref<!tpu.dma_semaphore, #tpu.memory_space<semaphore_mem>>) src(%arg7 : memref<32x1024xf32, #tpu.memory_space<vmem>>) dst(%dma_wait3A_28 : memref<32x1024xf32, #tpu.memory_space<hbm>>)
    return
  }
}

</mosaic_0001>

<sc_bundles>
// kernel: _sc_gather.3.cloned.1.call-start
scs
__scs_entry_jumppad:
0x0: {  	(pc) =	sbr.rel $0x88, $3  }
0x1: {  	(tag) =	ssettag $0x0;
	lr =	simm.s32 $0x1  }
0x2: {  	[smem:$0x3F9F] =	sst lr;
	_ =	strace $0xD0000000  }
0x3: {  	_ = 	snop  }
0x4: {  	_ = 	snop  }
0x5: {  	_ = 	snop  }
0x6: {  	_ = 	snop  }
0x7: {  	_ = 	snop  }
__scs_overlays_trampoline_lowered:
0x8: {  	[smem:$0x3FAE] =	sst s0  }
0x9: {  	[smem:$0x3FAF] =	sst s1  }
0xa: {  	[smem:$0x3FB0] =	sst s2  }
0xb: {  	[smem:$0x3FB1] =	sst s3  }
0xc: {  	[smem:$0x3FB2] =	sst s4  }
0xd: {  	[smem:$0x3FB3] =	sst s5  }
0xe: {  	[smem:$0x3FB4] =	sst s6  }
0xf: {  	[smem:$0x3FB5] =	sst s7  }
0x10: {  	[smem:$0x3FB6] =	sst s8  }
0x11: {  	[smem:$0x3FB7] =	sst s9;
	s0 =	simm.s32 @!p0 $0x0  }
0x12: {  	s1 =	sld [smem:$0x3F9D];
	s0 =	simm.s32 @p0 $0x1  }
0x13: {  	[smem:$0x3FB8] =	sst s0;
	s0 =	simm.s32 @!p1 $0x0  }
0x14: {  	s2 =	sld [smem:$0x3F9C];
	s0 =	simm.s32 @p1 $0x1  }
0x15: {  	[smem:$0x3FB9] =	sst s0;
	s0 =	simm.s32 @!p2 $0x0  }
0x16: {  	s3 =	sld [smem:$0x3FDB];
	s0 =	simm.s32 @p2 $0x1  }
0x17: {  	s4 =	simm.s32 $0x1BF5;
	[smem:$0x3FBB] =	sst s0  }
0x18: {  	s0 =	sld [smem:$0x3F9E];
	_ =	swait.ge [sflag:s4], $0x0  }
0x19: {  	s7 =	sld [smem:$0x3F9F]  }
0x1a: {  	s8 =	sadd.s32 $0xFFFFE003, lr  }
0x1b: {  	s9 =	sadd.s32 $0xFFFFFEF7, lr;
	s5 =	simm.s32 $0xFFFFFFFF;
	p2 =	slt.u32 s8, $0xFFFFF086  }
0x1c: {  	p1 =	slt.u32 s9, $0xF7A;
	s5 =	simm.s32 @!p2 $0x0  }
0x1d: {  	s5 =	simm.s32 @p1 $0x1;
	p0 =	seq.s32 s7, s2  }
0x1e: {  	s7 =	smul.u32 @!p0 $0xF7A, s2;
	p2 =	seq.s32 @!p0 s5, $0x0  }
0x1f: {  	s9 =	smul.u32 $0xF7A, s1;
	s8 =	simm.s32 @!p0 $0x1BF5;
	p2 =	por !p2, p0  }
0x20: {  	[sflag:s8] =	ssyncset.s32 @!p0 $0xFFFFF086;
	s6 =	sadd.s32 @!p0 s3, s7;
	s7 =	simm.s32 @!p0 $0x108  }
0x21: {  	s3 =	sadd.s32 s3, s9;
	s6 =	sadd.s32 @!p0 $0x88, s6;
	s7 =	simm.s32 @p2 $0x1082  }
0x22: {  	[simem:s7], [sflag:s8] =	dma.local @!p0 [hbm:s6], $0xF7A  }
0x23: {  	s9 =	sor.u32 $0xD0000000, s2;
	s6 =	simm.s32 $0x108;
	_ =	swait.ge @!p0 [sflag:s8], $0x0  }
0x24: {  	s3 =	sadd.s32 $0x88, s3;
	s6 =	simm.s32 @!p1 $0x1082;
	[sflag:s4] =	ssyncset.s32 $0xFFFFF086  }
0x25: {  	[simem:s6], [sflag:s4] =	dma.local [hbm:s3], $0xF7A  }
0x26: {  	[smem:$0x3F9F] =	sst s1;
	(tag) =	ssettag s2;
	_ =	strace s9  }
0x27: {  	s1 =	sld [smem:$0x3FAF]  }
0x28: {  	s2 =	sld [smem:$0x3FB0]  }
0x29: {  	s4 =	sld [smem:$0x3FB2]  }
0x2a: {  	p0 =	seq.s32 s5, $0x0;
	s5 =	sld [smem:$0x3FB3]  }
0x2b: {  	s6 =	sld [smem:$0x3FB4]  }
0x2c: {  	s7 =	sld [smem:$0x3FB5]  }
0x2d: {  	s3 =	simm.s32 $0x108;
	s8 =	sld [smem:$0x3FB6]  }
0x2e: {  	s3 =	simm.s32 @!p0 $0x1082;
	s9 =	sld [smem:$0x3FB7]  }
0x2f: {  	lr =	sadd.s32 s0, s3;
	s0 =	sld [smem:$0x3FAE]  }
0x30: {  	s3 =	sld [smem:$0x3FB1]  }
0x31: {  	[smem:$0x3FBA] =	sst s10  }
0x32: {  	s10 =	sld [smem:$0x3FB8];
	_ =	sdelay $0x3  }
0x33: {  	p0 =	seq.s32 s10, $0x1;
	s10 =	sld [smem:$0x3FBA];
	_ =	sdelay $0x3  }
0x34: {  	[smem:$0x3FBA] =	sst s10  }
0x35: {  	s10 =	sld [smem:$0x3FB9];
	_ =	sdelay $0x3  }
0x36: {  	p1 =	seq.s32 s10, $0x1;
	s10 =	sld [smem:$0x3FBA];
	_ =	sdelay $0x3  }
0x37: {  	[smem:$0x3FBA] =	sst s10  }
0x38: {  	s10 =	sld [smem:$0x3FBB]  }
0x39: {  	_ = 	snop;
	(pc) =	sbr.ind lr, $3  }
0x3a: {  	_ = 	snop  }
0x3b: {  	_ = 	snop  }
0x3c: {  	p2 =	seq.s32 s10, $0x1;
	s10 =	sld [smem:$0x3FBA]  }
0x3d: {  	_ =	shalt  }
0x3e: {  	_ =	shalt  }
0x3f: {  	_ =	shalt  }
0x40: {  	_ =	shalt  }
0x41: {  	_ =	shalt  }
0x42: {  	_ =	shalt  }
0x43: {  	_ =	shalt  }
0x44: {  	_ =	shalt  }
0x45: {  	_ =	shalt  }
0x46: {  	_ =	shalt  }
0x47: {  	_ =	shalt  }
0x48: {  	_ =	shalt  }
0x49: {  	_ =	shalt  }
0x4a: {  	_ =	shalt  }
0x4b: {  	_ =	shalt  }
0x4c: {  	_ =	shalt  }
0x4d: {  	_ =	shalt  }
0x4e: {  	_ =	shalt  }
0x4f: {  	_ =	shalt  }
0x50: {  	_ =	shalt  }
0x51: {  	_ =	shalt  }
0x52: {  	_ =	shalt  }
0x53: {  	_ =	shalt  }
0x54: {  	_ =	shalt  }
0x55: {  	_ =	shalt  }
0x56: {  	_ =	shalt  }
0x57: {  	_ =	shalt  }
0x58: {  	_ =	shalt  }
0x59: {  	_ =	shalt  }
0x5a: {  	_ =	shalt  }
0x5b: {  	_ =	shalt  }
0x5c: {  	_ =	shalt  }
0x5d: {  	_ =	shalt  }
0x5e: {  	_ =	shalt  }
0x5f: {  	_ =	shalt  }
0x60: {  	_ =	shalt  }
0x61: {  	_ =	shalt  }
0x62: {  	_ =	shalt  }
0x63: {  	_ =	shalt  }
0x64: {  	_ =	shalt  }
0x65: {  	_ =	shalt  }
0x66: {  	_ =	shalt  }
0x67: {  	_ =	shalt  }
0x68: {  	_ =	shalt  }
0x69: {  	_ =	shalt  }
0x6a: {  	_ =	shalt  }
0x6b: {  	_ =	shalt  }
0x6c: {  	_ =	shalt  }
0x6d: {  	_ =	shalt  }
0x6e: {  	_ =	shalt  }
0x6f: {  	_ =	shalt  }
0x70: {  	_ =	shalt  }
0x71: {  	_ =	shalt  }
0x72: {  	_ =	shalt  }
0x73: {  	_ =	shalt  }
0x74: {  	_ =	shalt  }
0x75: {  	_ =	shalt  }
0x76: {  	_ =	shalt  }
0x77: {  	_ =	shalt  }
0x78: {  	_ =	shalt  }
0x79: {  	_ =	shalt  }
0x7a: {  	_ =	shalt  }
0x7b: {  	_ =	shalt  }
0x7c: {  	_ =	shalt  }
0x7d: {  	_ =	shalt  }
0x7e: {  	_ =	shalt  }
0x7f: {  	_ =	shalt  }
0x80: {  	_ =	shalt  }
0x81: {  	_ =	shalt  }
0x82: {  	_ =	shalt  }
0x83: {  	_ =	shalt  }
0x84: {  	_ =	shalt  }
0x85: {  	_ =	shalt  }
0x86: {  	_ =	shalt  }
0x87: {  	_ =	shalt  }
.Lfunc_end0:
.L_simem_size_0:
called_computation_lowered:
.L_overlay_start_0:
0x88: {  	s2 =	sld [smem:$0x3FD9]  }
0x89: {  	s3 =	sld [smem:$0x3FFE];
	_ =	sdelay $0x1  }
0x8a: {  	s1 =	srdreg.scid  }
0x8b: {  	s0 =	sand.u32 $0x1, s1  }
0x8c: {  	s18 =	sshll.u32 s0, $0xA;
	s2 =	sadd.s32 s3, s2  }
0x8d: {  	s2 =	sadd.s32 s2, s18  }
0x8e: {  	[smem:$0x3FC6] =	sst s2  }
0x8f: {  	_ = 	snop  }
0x90: {  	s2 =	sld [smem:$0x3FC9]  }
0x91: {  	s19 =	sld [smem:$0x3FC8]  }
0x92: {  	s4 =	sld [smem:$0x3FD0];
	(tm) =	ssettm $0x1  }
0x93: {  	s5 =	sld [smem:$0x3FFB];
	_ =	sdelay $0x3  }
0x94: {  	_ =	strace s5  }
0x95: {  	s5 =	sld [smem:$0x3FFC];
	_ =	sdelay $0x3  }
0x96: {  	_ =	strace s5  }
0x97: {  	s5 =	sld [smem:$0x3FFD];
	_ =	sdelay $0x3  }
0x98: {  	_ =	strace s5  }
0x99: {  	_ =	strace $0x8FFFFFFF  }
0x9a: {  	s20 =	sld [smem:$0x3FDB];
	_ =	sdelay $0x1  }
0x9b: {  	s6 =	simm.s32 $_scs_section_size  }
0x9c: {  	s7 =	simm.s32 $_size__tile_overlayer_lowered;
	s8 =	simm.s32 $_tile_overlayer_lowered  }
0x9d: {  	s23 =	simm.s32 $0x1BFF;
	s22 =	sshll.u32 s8, $0x1;
	s5 =	sadd.s32 s6, s20  }
0x9e: {  	s9 =	simm.s32 $0x0;
	s21 =	sshll.u32 s7, $0x1;
	s7 =	sadd.s32 s22, s5  }
0x9f: {  	[timem:s9], [sflag:s23] =	dma.local [hbm:s7], s21  }
0xa0: {  	_ =	swait.ge [sflag:s23], s21  }
0xa1: {  	s6 =	ssub.s32 $0x0, s21;
	[sflag:s23] =	ssyncset.done $0x0  }
0xa2: {  	[sflag:s23] =	ssyncadd.s32 s6;
	_ =	sdelay $0x1  }
0xa3: {  	s24 =	simm.s32 $0x1B8B  }
0xa4: {  	_ =	swait.ge [sflag:s24], $0x1  }
0xa5: {  	[sflag:s24] =	ssyncset.done $0x0  }
0xa6: {  	s25 =	simm.s32 $0x1B8E;
	[sflag:s24] =	ssyncadd.s32 $0xFFFFFFFF  }
0xa7: {  	s26 =	simm.s32 $execute0_lowered;
	[smem:$0x3FD2] =	sst s25  }
0xa8: {  	s6 =	sshll.u32 s26, $0x1;
	_ =	strace $0x80000046;
	[dreg:$0x1] =	wrdreg $0xFFFFFFFF  }
0xa9: {  	s28 =	simm.s32 $_size_execute0_lowered;
	s5 =	sadd.s32 s5, s6;
	[dreg:$0x0] =	wrdreg $0x0  }
0xaa: {  	s6 =	sshll.u32 s28, $0x1;
	[dreg:$0x2] =	wrdreg s5  }
0xab: {  	[dreg:$0x3] =	wrdreg s6  }
0xac: {  	[dreg:$0x4] =	wrdreg $0xC0  }
0xad: {  	_ =	task [dreg:s9], $0x5FFFF  }
0xae: {  	[dreg:$0x1] =	wrdreg $0xFFFFFFFF  }
0xaf: {  	[dreg:$0x0] =	wrdreg $0x60  }
0xb0: {  	[dreg:$0x2] =	wrdreg s2  }
0xb1: {  	[dreg:$0x3] =	wrdreg s19  }
0xb2: {  	[dreg:$0x4] =	wrdreg s4  }
0xb3: {  	[dreg:$0x5] =	wrdreg $0x9  }
0xb4: {  	_ =	task.clear_ibuf [dreg:s9], $0x6FFFF;
	_ =	strace $0x90000046  }
0xb5: {  	s29 =	simm.s32 $0x9;
	_ =	strace $0x80000048  }
0xb6: {  	_ =	swait.ge [sflag:s29], $0x1  }
0xb7: {  	[sflag:s29] =	ssyncadd.s32 $0xFFFFFFFF  }
0xb8: {  	_ =	strace $0x90000048  }
0xb9: {  	_ =	sfence  }
0xba: {  	s30 =	sld [smem:$0x0];
	_ =	sdelay $0x2  }
0xbb: {  	s31 =	sshll.u32 s1, $0xD;
	s1 =	sshrl.u32 s1, $0x2  }
0xbc: {  	s3 =	sand.u32 $0x4000, s31;
	s1 =	sadd.s32 s1, s30  }
0xbd: {  	s0 =	sor.u32 s3, s0;
	s1 =	sshll.u32 s1, $0x11  }
0xbe: {  	s0 =	sor.u32 s1, s0  }
0xbf: {  	s0 =	sadd.s32 $0x8F2B, s0  }
0xc0: {  	[sflag:s0] =	ssyncadd.remote.s32 $0x1  }
0xc1: {  	_ =	sfence.sel $0xFFFF  }
0xc2: {  	[dreg:$0x0] =	wrdreg $0xFFFFFFFF;
	(pc) =	sbr.abs _section_cstart, $3  }
0xc3: {  	[dreg:$0x1] =	wrdreg $0xFFFFFFFF  }
0xc4: {  	_ =	task.clear_ibuf [dreg:s9], $0x2FFFF;
	_ =	strace $0x9FFFFFFF  }
0xc5: {  	(tm) =	ssettm $0x7FFFFFFF  }
tec
execute0_lowered:
.L_overlay_start_1:
0x0: {  	(tag) =	ssettag $0x1  }
0x1: {  	s0 =	rddreg [dreg:$0x0]  }
0x2: {  	s1 =	rddreg [dreg:$0x1]  }
0x3: {  	s2 =	rddreg [dreg:$0x2];
	s4 =	srdreg.scid;
	s3 =	simm.s32 $0x0  }
0x4: {  	s10 =	stileid.u32;
	s12 =	simm.s32 $0x1000;
	s28 =	simm.s32 $0x8800  }
0x5: {  	s29 =	simm.s32 $0x1;
	s30 =	simm.s32 $0x9000;
	s31 =	simm.s32 $0x9800  }
0x6: {  	s11 =	simm.s32 $0xC000;
	s13 =	simm.s32 $0xC800;
	s14 =	simm.s32 $0xD000  }
0x7: {  	s15 =	simm.s32 $0xD800;
	s16 =	simm.s32 $0xE000;
	s17 =	simm.s32 $0xE800  }
0x8: {  	s18 =	simm.s32 $0xF000;
	s19 =	simm.s32 $0xF800;
	s20 =	simm.s32 $0x10000  }
0x9: {  	s21 =	simm.s32 $0x10800;
	s22 =	simm.s32 $0x2;
	s23 =	simm.s32 $0x3  }
0xa: {  	s4 =	sand.u32 $0x1, s4;
	[smem:$0x7FF] =	sst s3;
	s7 =	sshll.u32 s10, $0xA  }
0xb: {  	s25 =	sshll.u32 s10, $0x15;
	s5 =	ssub.s32 $0x2, s4;
	s8 =	sshll.u32 s4, $0x9  }
0xc: {  	_ =	strace $0x80000047;
	s4 =	sshll.u32 s4, $0x14;
	s6 =	sshrl.u32 s5, $0x1  }
0xd: {  	s24 =	sor.u32 s8, s7;
	s7 =	sadd.s32 $0x300, s1;
	s8 =	simm.s32 $0xB800  }
0xe: {  	s9 =	ssub.s32 s5, s6;
	s0 =	sadd.s32 s0, s24;
	s5 =	sadd.s32 $0x100, s1  }
.Ltmp0:
0xf: {  	[dreg:$0x4] =	wrdreg s0;
	s0 =	sor.u32 s4, s25;
	(pc) =	sbr.rel .LBB2_1-.Ltmp0, $4  }
0x10: {  	s6 =	sadd.s32 $0x200, s1;
	s26 =	smax.u32 s9, $0x1;
	s4 =	sshrl.u32 s0, $0x3  }
0x11: {  	v2 =	vlaneseq.u32;
	s0 =	sor.u32 $0x8000, s0;
	[dreg:$0x5] =	wrdreg s26;
	s26 =	simm.s32 $0x0  }
0x12: {  	vm0 =	vmmov $0xffff;
	v1 =	vshrl.u32 v2, $0x3;
	s9 =	sadd.s32 s4, s2;
	s0 =	sshrl.u32 s0, $0x3;
	s4 =	simm.s32 $0xB000  }
0x13: {  	v0 =	vand.u32 $0x7, v2;
	v2 =	vor.u32 $0x8, v2;
	v1 =	vmul.u32 $0x8, v1;
	s10 =	sadd.s32 s0, s2;
	s0 =	simm.s32 $0xA000;
	s2 =	simm.s32 $0xA800  }
.LBB2_4:
0x14: {  	s25 =	simm.s32 $0x4  }
0x15: {  	_ =	swait.ge [sflag:s25], $0x8000  }
0x16: {  	s26 =	rddreg [dreg:$0x6]  }
0x17: {  	s24 =	rddreg [dreg:$0x5];
	s26 =	sadd.s32 $0x1, s26  }
0x18: {  	p0 =	sne.s32 s26, s24  }
.Ltmp1:
0x19: {  	_ = 	snop;
	(pc) =	sbr.rel @!p0 .LBB2_5-.Ltmp1, $3  }
0x1a: {  	_ =	sdelay $0x1  }
0x1b: {  	[sflag:s25] =	ssyncset.done $0x0  }
0x1c: {  	[sflag:s25] =	ssyncadd.s32 $0xFFFF8000  }
.LBB2_1:
0x1d: {  	[dreg:$0x6] =	wrdreg s26  }
0x1e: {  	s24 =	rddreg [dreg:$0x4];
	s26 =	simm.s32 $0x5  }
0x1f: {  	[tilespmem:s3], [sflag:$0x5] =	stream.linear.gather [hbm4b:s24+s3], $0x1000, $0x38;
	[tilespmem:$0x11000] =	vst v63  }
0x20: {  	_ =	swait.ge [sflag:s26], $0x1000  }
0x21: {  	[sflag:s26] =	ssyncset.done $0x0  }
0x22: {  	[sflag:s26] =	ssyncadd.s32 $0xFFFFF000  }
0x23: {  	v3 =	vld [tilespmem:$0x0];
	_ =	sdelay $0x4  }
0x24: {  	v4 =	vshll.u32 v3, $0x3  }
0x25: {  	v3 =	vand.u32 $0x7, v3;
	v4 =	vand.u32 $0xFFFFFFC0, v4  }
0x26: {  	v3 =	vor.u32 v3, v4  }
0x27: {  	v4 =	vperm.xlane v3, v0;
	_ =	sdelay $0x1  }
0x28: {  	v4 =	vadd.s32 v1, v4;
	_ =	sdelay $0x4  }
0x29: {  	[tilespmem:s12], [sflag:$0x1] =	stream.indirect_vreg.gather [hbm4b:s1+s3], $0x80, v4, vm0, $0xb8;
	[tilespmem:$0x11000] =	vst v63  }
0x2a: {  	s25 =	simm.s32 $0x1800;
	v3 =	vperm.xlane v3, v2  }
0x2b: {  	[tilespmem:s25], [sflag:$0x1] =	stream.indirect_vreg.gather [hbm4b:s5+s3], $0x80, v4, vm0, $0xb8;
	[tilespmem:$0x11000] =	vst v63  }
0x2c: {  	s26 =	simm.s32 $0x2000;
	v3 =	vadd.s32 v1, v3  }
0x2d: {  	[tilespmem:s26], [sflag:$0x1] =	stream.indirect_vreg.gather [hbm4b:s6+s3], $0x80, v4, vm0, $0xb8;
	[tilespmem:$0x11000] =	vst v63  }
0x2e: {  	s25 =	simm.s32 $0x2800  }
0x2f: {  	[tilespmem:s25], [sflag:$0x1] =	stream.indirect_vreg.gather [hbm4b:s7+s3], $0x80, v4, vm0, $0xb8;
	[tilespmem:$0x11000] =	vst v63  }
0x30: {  	s26 =	simm.s32 $0x3000  }
0x31: {  	[tilespmem:s26], [sflag:$0x1] =	stream.indirect_vreg.gather [hbm4b:s1+s3], $0x80, v3, vm0, $0xb8;
	[tilespmem:$0x11000] =	vst v63  }
0x32: {  	s25 =	simm.s32 $0x3800  }
0x33: {  	[tilespmem:s25], [sflag:$0x1] =	stream.indirect_vreg.gather [hbm4b:s5+s3], $0x80, v3, vm0, $0xb8;
	[tilespmem:$0x11000] =	vst v63  }
0x34: {  	s26 =	simm.s32 $0x4000  }
0x35: {  	[tilespmem:s26], [sflag:$0x1] =	stream.indirect_vreg.gather [hbm4b:s6+s3], $0x80, v3, vm0, $0xb8;
	[tilespmem:$0x11000] =	vst v63  }
0x36: {  	s25 =	simm.s32 $0x4800  }
0x37: {  	[tilespmem:s25], [sflag:$0x1] =	stream.indirect_vreg.gather [hbm4b:s7+s3], $0x80, v3, vm0, $0xb8;
	[tilespmem:$0x11000] =	vst v63  }
0x38: {  	v3 =	vld [tilespmem:$0x10];
	_ =	sdelay $0x4  }
0x39: {  	v63 =	vshll.u32 v3, $0x3  }
0x3a: {  	v3 =	vand.u32 $0x7, v3;
	v4 =	vand.u32 $0xFFFFFFC0, v63  }
0x3b: {  	v3 =	vor.u32 v3, v4  }
0x3c: {  	v4 =	vperm.xlane v3, v0;
	_ =	sdelay $0x1  }
0x3d: {  	v4 =	vadd.s32 v1, v4;
	_ =	sdelay $0x3  }
0x3e: {  	s26 =	simm.s32 $0x5000  }
0x3f: {  	[tilespmem:s26], [sflag:$0x1] =	stream.indirect_vreg.gather [hbm4b:s1+s3], $0x80, v4, vm0, $0xb8;
	[tilespmem:$0x11000] =	vst v63  }
0x40: {  	s25 =	simm.s32 $0x5800;
	v3 =	vperm.xlane v3, v2  }
0x41: {  	[tilespmem:s25], [sflag:$0x1] =	stream.indirect_vreg.gather [hbm4b:s5+s3], $0x80, v4, vm0, $0xb8;
	[tilespmem:$0x11000] =	vst v63  }
0x42: {  	v3 =	vadd.s32 v1, v3;
	s26 =	simm.s32 $0x6000  }
0x43: {  	[tilespmem:s26], [sflag:$0x1] =	stream.indirect_vreg.gather [hbm4b:s6+s3], $0x80, v4, vm0, $0xb8;
	[tilespmem:$0x11000] =	vst v63  }
0x44: {  	s25 =	simm.s32 $0x6800  }
0x45: {  	[tilespmem:s25], [sflag:$0x1] =	stream.indirect_vreg.gather [hbm4b:s7+s3], $0x80, v4, vm0, $0xb8;
	[tilespmem:$0x11000] =	vst v63  }
0x46: {  	s26 =	simm.s32 $0x7000  }
0x47: {  	[tilespmem:s26], [sflag:$0x1] =	stream.indirect_vreg.gather [hbm4b:s1+s3], $0x80, v3, vm0, $0xb8;
	[tilespmem:$0x11000] =	vst v63  }
0x48: {  	s25 =	simm.s32 $0x7800  }
0x49: {  	[tilespmem:s25], [sflag:$0x1] =	stream.indirect_vreg.gather [hbm4b:s5+s3], $0x80, v3, vm0, $0xb8;
	[tilespmem:$0x11000] =	vst v63  }
0x4a: {  	s26 =	simm.s32 $0x8000  }
0x4b: {  	[tilespmem:s26], [sflag:$0x1] =	stream.indirect_vreg.gather [hbm4b:s6+s3], $0x80, v3, vm0, $0xb8;
	[tilespmem:$0x11000] =	vst v63  }
0x4c: {  	s24 =	simm.s32 $0x90;
	s25 =	simm.s32 $0x0  }
0x4d: {  	[tilespmem:s28], [sflag:$0x1] =	stream.indirect_vreg.gather [hbm4b:s7+s3], $0x80, v3, vm0, $0xb8;
	[tilespmem:$0x11000] =	vst v63  }
.LBB2_2:
0x4e: {  	_ =	swait.ge [sflag:s29], $0x8000  }
0x4f: {  	[sflag:s29] =	ssyncset.done $0x0  }
0x50: {  	s26 =	sadd.s32 s25, s9;
	p0 =	seq.s32 s25, $0x0;
	[sflag:s29] =	ssyncadd.s32 $0xFFFF8000  }
0x51: {  	[hbm4b:s26+s3] =	stream.linear.scatter [tilespmem:s12], [sflag:$0x3], $0x8000, $0x38;
	[tilespmem:$0x11000] =	vst v63  }
0x52: {  	s26 =	simm.s32 @!p0 $0x4  }
0x53: {  	_ =	swait.ge @!p0 [sflag:s26], $0x8000  }
0x54: {  	[sflag:s26] =	ssyncset.done @!p0 $0x0  }
0x55: {  	[sflag:s26] =	ssyncadd.s32 @!p0 $0xFFFF8000  }
0x56: {  	v3 =	vld [tilespmem:s24+$0xFFFFFFF0];
	_ =	sdelay $0x4  }
0x57: {  	v4 =	vshll.u32 v3, $0x3  }
0x58: {  	v3 =	vand.u32 $0x7, v3;
	v4 =	vand.u32 $0xFFFFFFC0, v4  }
0x59: {  	v3 =	vor.u32 v3, v4  }
0x5a: {  	v4 =	vperm.xlane v3, v0;
	_ =	sdelay $0x1  }
0x5b: {  	v4 =	vadd.s32 v1, v4;
	_ =	sdelay $0x4  }
0x5c: {  	[tilespmem:s30], [sflag:$0x2] =	stream.indirect_vreg.gather [hbm4b:s1+s3], $0x80, v4, vm0, $0xb8;
	[tilespmem:$0x11000] =	vst v63  }
0x5d: {  	v3 =	vperm.xlane v3, v2  }
0x5e: {  	[tilespmem:s31], [sflag:$0x2] =	stream.indirect_vreg.gather [hbm4b:s5+s3], $0x80, v4, vm0, $0xb8;
	[tilespmem:$0x11000] =	vst v63  }
0x5f: {  	v3 =	vadd.s32 v1, v3  }
0x60: {  	[tilespmem:s0], [sflag:$0x2] =	stream.indirect_vreg.gather [hbm4b:s6+s3], $0x80, v4, vm0, $0xb8;
	[tilespmem:$0x11000] =	vst v63  }
0x61: {  	_ = 	snop  }
0x62: {  	[tilespmem:s2], [sflag:$0x2] =	stream.indirect_vreg.gather [hbm4b:s7+s3], $0x80, v4, vm0, $0xb8;
	[tilespmem:$0x11000] =	vst v63  }
0x63: {  	_ = 	snop  }
0x64: {  	[tilespmem:s4], [sflag:$0x2] =	stream.indirect_vreg.gather [hbm4b:s1+s3], $0x80, v3, vm0, $0xb8;
	[tilespmem:$0x11000] =	vst v63  }
0x65: {  	_ = 	snop  }
0x66: {  	[tilespmem:s8], [sflag:$0x2] =	stream.indirect_vreg.gather [hbm4b:s5+s3], $0x80, v3, vm0, $0xb8;
	[tilespmem:$0x11000] =	vst v63  }
0x67: {  	_ = 	snop  }
0x68: {  	[tilespmem:s11], [sflag:$0x2] =	stream.indirect_vreg.gather [hbm4b:s6+s3], $0x80, v3, vm0, $0xb8;
	[tilespmem:$0x11000] =	vst v63  }
0x69: {  	_ = 	snop  }
0x6a: {  	[tilespmem:s13], [sflag:$0x2] =	stream.indirect_vreg.gather [hbm4b:s7+s3], $0x80, v3, vm0, $0xb8;
	[tilespmem:$0x11000] =	vst v63  }
0x6b: {  	v3 =	vld [tilespmem:s24+$0x0];
	_ =	sdelay $0x4  }
0x6c: {  	v63 =	vshll.u32 v3, $0x3  }
0x6d: {  	v3 =	vand.u32 $0x7, v3;
	v4 =	vand.u32 $0xFFFFFFC0, v63  }
0x6e: {  	v3 =	vor.u32 v3, v4  }
0x6f: {  	v4 =	vperm.xlane v3, v0;
	_ =	sdelay $0x1  }
0x70: {  	v4 =	vadd.s32 v1, v4;
	_ =	sdelay $0x4  }
0x71: {  	[tilespmem:s14], [sflag:$0x2] =	stream.indirect_vreg.gather [hbm4b:s1+s3], $0x80, v4, vm0, $0xb8;
	[tilespmem:$0x11000] =	vst v63  }
0x72: {  	v3 =	vperm.xlane v3, v2  }
0x73: {  	[tilespmem:s15], [sflag:$0x2] =	stream.indirect_vreg.gather [hbm4b:s5+s3], $0x80, v4, vm0, $0xb8;
	[tilespmem:$0x11000] =	vst v63  }
0x74: {  	v3 =	vadd.s32 v1, v3  }
0x75: {  	[tilespmem:s16], [sflag:$0x2] =	stream.indirect_vreg.gather [hbm4b:s6+s3], $0x80, v4, vm0, $0xb8;
	[tilespmem:$0x11000] =	vst v63  }
0x76: {  	_ = 	snop  }
0x77: {  	[tilespmem:s17], [sflag:$0x2] =	stream.indirect_vreg.gather [hbm4b:s7+s3], $0x80, v4, vm0, $0xb8;
	[tilespmem:$0x11000] =	vst v63  }
0x78: {  	_ = 	snop  }
0x79: {  	[tilespmem:s18], [sflag:$0x2] =	stream.indirect_vreg.gather [hbm4b:s1+s3], $0x80, v3, vm0, $0xb8;
	[tilespmem:$0x11000] =	vst v63  }
0x7a: {  	_ = 	snop  }
0x7b: {  	[tilespmem:s19], [sflag:$0x2] =	stream.indirect_vreg.gather [hbm4b:s5+s3], $0x80, v3, vm0, $0xb8;
	[tilespmem:$0x11000] =	vst v63  }
0x7c: {  	_ = 	snop  }
0x7d: {  	[tilespmem:s20], [sflag:$0x2] =	stream.indirect_vreg.gather [hbm4b:s6+s3], $0x80, v3, vm0, $0xb8;
	[tilespmem:$0x11000] =	vst v63  }
0x7e: {  	_ = 	snop  }
0x7f: {  	[tilespmem:s21], [sflag:$0x2] =	stream.indirect_vreg.gather [hbm4b:s7+s3], $0x80, v3, vm0, $0xb8;
	[tilespmem:$0x11000] =	vst v63  }
0x80: {  	_ =	swait.ge [sflag:s22], $0x8000  }
0x81: {  	p0 =	seq.s32 s25, $0x1E000;
	[sflag:s22] =	ssyncset.done $0x0  }
.Ltmp2:
0x82: {  	s26 =	sadd.s32 s25, s10;
	[sflag:s22] =	ssyncadd.s32 $0xFFFF8000;
	(pc) =	sbr.rel @p0 .LBB2_4-.Ltmp2, $4  }
0x83: {  	[hbm4b:s26+s3] =	stream.linear.scatter [tilespmem:s30], [sflag:$0x4], $0x8000, $0x38;
	[tilespmem:$0x11000] =	vst v63  }
0x84: {  	_ =	swait.ge [sflag:s23], $0x8000  }
0x85: {  	[sflag:s23] =	ssyncset.done $0x0  }
0x86: {  	[sflag:s23] =	ssyncadd.s32 $0xFFFF8000  }
0x87: {  	v3 =	vld [tilespmem:s24+$0x70];
	_ =	sdelay $0x4  }
0x88: {  	v4 =	vshll.u32 v3, $0x3  }
0x89: {  	v3 =	vand.u32 $0x7, v3;
	v4 =	vand.u32 $0xFFFFFFC0, v4  }
0x8a: {  	v3 =	vor.u32 v3, v4  }
0x8b: {  	v4 =	vperm.xlane v3, v0;
	_ =	sdelay $0x1  }
0x8c: {  	v4 =	vadd.s32 v1, v4;
	_ =	sdelay $0x4  }
0x8d: {  	[tilespmem:s12], [sflag:$0x1] =	stream.indirect_vreg.gather [hbm4b:s1+s3], $0x80, v4, vm0, $0xb8;
	[tilespmem:$0x11000] =	vst v63  }
0x8e: {  	s26 =	simm.s32 $0x1800;
	v3 =	vperm.xlane v3, v2  }
0x8f: {  	[tilespmem:s26], [sflag:$0x1] =	stream.indirect_vreg.gather [hbm4b:s5+s3], $0x80, v4, vm0, $0xb8;
	[tilespmem:$0x11000] =	vst v63  }
0x90: {  	v3 =	vadd.s32 v1, v3;
	s26 =	simm.s32 $0x2000  }
0x91: {  	[tilespmem:s26], [sflag:$0x1] =	stream.indirect_vreg.gather [hbm4b:s6+s3], $0x80, v4, vm0, $0xb8;
	[tilespmem:$0x11000] =	vst v63  }
0x92: {  	s26 =	simm.s32 $0x2800  }
0x93: {  	[tilespmem:s26], [sflag:$0x1] =	stream.indirect_vreg.gather [hbm4b:s7+s3], $0x80, v4, vm0, $0xb8;
	[tilespmem:$0x11000] =	vst v63  }
0x94: {  	s26 =	simm.s32 $0x3000  }
0x95: {  	[tilespmem:s26], [sflag:$0x1] =	stream.indirect_vreg.gather [hbm4b:s1+s3], $0x80, v3, vm0, $0xb8;
	[tilespmem:$0x11000] =	vst v63  }
0x96: {  	s26 =	simm.s32 $0x3800  }
0x97: {  	[tilespmem:s26], [sflag:$0x1] =	stream.indirect_vreg.gather [hbm4b:s5+s3], $0x80, v3, vm0, $0xb8;
	[tilespmem:$0x11000] =	vst v63  }
0x98: {  	s26 =	simm.s32 $0x4000  }
0x99: {  	[tilespmem:s26], [sflag:$0x1] =	stream.indirect_vreg.gather [hbm4b:s6+s3], $0x80, v3, vm0, $0xb8;
	[tilespmem:$0x11000] =	vst v63  }
0x9a: {  	s26 =	simm.s32 $0x4800  }
0x9b: {  	[tilespmem:s26], [sflag:$0x1] =	stream.indirect_vreg.gather [hbm4b:s7+s3], $0x80, v3, vm0, $0xb8;
	[tilespmem:$0x11000] =	vst v63  }
0x9c: {  	v3 =	vld [tilespmem:s24+$0x80];
	_ =	sdelay $0x4  }
0x9d: {  	v63 =	vshll.u32 v3, $0x3  }
0x9e: {  	v3 =	vand.u32 $0x7, v3;
	v4 =	vand.u32 $0xFFFFFFC0, v63  }
0x9f: {  	v3 =	vor.u32 v3, v4  }
0xa0: {  	v4 =	vperm.xlane v3, v0;
	_ =	sdelay $0x1  }
0xa1: {  	v4 =	vadd.s32 v1, v4;
	_ =	sdelay $0x3  }
0xa2: {  	s26 =	simm.s32 $0x5000  }
0xa3: {  	[tilespmem:s26], [sflag:$0x1] =	stream.indirect_vreg.gather [hbm4b:s1+s3], $0x80, v4, vm0, $0xb8;
	[tilespmem:$0x11000] =	vst v63  }
0xa4: {  	v3 =	vperm.xlane v3, v2;
	s26 =	simm.s32 $0x5800  }
0xa5: {  	[tilespmem:s26], [sflag:$0x1] =	stream.indirect_vreg.gather [hbm4b:s5+s3], $0x80, v4, vm0, $0xb8;
	[tilespmem:$0x11000] =	vst v63  }
0xa6: {  	v3 =	vadd.s32 v1, v3;
	s26 =	simm.s32 $0x6000  }
0xa7: {  	[tilespmem:s26], [sflag:$0x1] =	stream.indirect_vreg.gather [hbm4b:s6+s3], $0x80, v4, vm0, $0xb8;
	[tilespmem:$0x11000] =	vst v63  }
0xa8: {  	s26 =	simm.s32 $0x6800  }
0xa9: {  	[tilespmem:s26], [sflag:$0x1] =	stream.indirect_vreg.gather [hbm4b:s7+s3], $0x80, v4, vm0, $0xb8;
	[tilespmem:$0x11000] =	vst v63  }
0xaa: {  	s26 =	simm.s32 $0x7000  }
0xab: {  	[tilespmem:s26], [sflag:$0x1] =	stream.indirect_vreg.gather [hbm4b:s1+s3], $0x80, v3, vm0, $0xb8;
	[tilespmem:$0x11000] =	vst v63  }
0xac: {  	s26 =	simm.s32 $0x7800  }
0xad: {  	[tilespmem:s26], [sflag:$0x1] =	stream.indirect_vreg.gather [hbm4b:s5+s3], $0x80, v3, vm0, $0xb8;
	[tilespmem:$0x11000] =	vst v63  }
.Ltmp3:
0xae: {  	_ = 	snop;
	(pc) =	sbr.rel .LBB2_2-.Ltmp3, $4  }
0xaf: {  	s26 =	simm.s32 $0x8000  }
0xb0: {  	[tilespmem:s26], [sflag:$0x1] =	stream.indirect_vreg.gather [hbm4b:s6+s3], $0x80, v3, vm0, $0xb8;
	[tilespmem:$0x11000] =	vst v63  }
0xb1: {  	s25 =	sadd.s32 $0x2000, s25;
	s24 =	sadd.s32 $0x100, s24  }
0xb2: {  	[tilespmem:s28], [sflag:$0x1] =	stream.indirect_vreg.gather [hbm4b:s7+s3], $0x80, v3, vm0, $0xb8;
	[tilespmem:$0x11000] =	vst v63  }
.LBB2_5:
0xb3: {  	_ =	sfence.sel $0x180000  }
0xb4: {  	[bflag:$0x0] =	sbarrier.arrive $0xFFFF  }
0xb5: {  	_ =	strace $0x90000047  }
0xb6: {  	s0 =	stileid.u32;
	[bflag:$0x2] =	sbarrier.arrive $0xFFFF  }
0xb7: {  	p0 =	sne.s32 s0, $0x0;
	s0 =	rddreg [dreg:$0x3]  }
0xb8: {  	s0 =	sadd.s32 @!p0 $0x100000, s0  }
0xb9: {  	[sflag:s0] =	ssyncadd.tile.s32 @!p0 $0x1;
	_ =	shalt  }
.Lfunc_end2:
_tile_overlayer_lowered:
.L_overlay_start_2:
0xba: {  	(tag) =	ssettag $0x2  }
0xbb: {  	s0 =	rddreg [dreg:$0x0];
	s2 =	stileid.u32  }
0xbc: {  	s1 =	rddreg [dreg:$0x1];
	p0 =	sne.s32 s2, $0x0  }
0xbd: {  	s3 =	rddreg [dreg:$0x2];
	[bflag:$0x3] =	sbarrier.arrive $0xFFFF;
	s2 =	simm.s32 @!p0 $0x1C05  }
0xbe: {  	[timem:s3], [sflag:s2] =	dma.local @!p0 [hbm:s0], s1  }
0xbf: {  	s0 =	simm.s32 @!p0 $0x5  }
0xc0: {  	_ =	swait.ge @!p0 [sflag:s0], s1  }
0xc1: {  	s1 =	ssub.s32 @!p0 $0x0, s1;
	[sflag:s0] =	ssyncset.done @!p0 $0x0  }
0xc2: {  	[sflag:s0] =	ssyncadd.s32 @!p0 s1  }
0xc3: {  	[bflag:$0x3] =	sbarrier.arrive $0xFFFF  }
0xc4: {  	_ =	shalt  }

</sc_bundles>
